<compile_context>
chip_gen: v7x
topology: tpu7x:2x2x1
jax: 0.10.2.dev20260603
libtpu: 0.0.44.dev20260713+nightly
codegen_flags: <defaults>
</compile_context>

<pallas_src>
import functools

import jax
import jax.numpy as jnp
from jax.experimental import pallas as pl
from jax.experimental.pallas import tpu as pltpu
from jax.experimental.pallas import tpu_sc as plsc

_COLS = 7


@functools.lru_cache(maxsize=1)
def _build_row_dot():
    mesh = plsc.ScalarSubcoreMesh(axis_name="c", num_cores=1)

    @functools.partial(
        pl.kernel,
        out_type=jax.ShapeDtypeStruct((8,), jnp.float32),
        mesh=mesh,
        scratch_types=[
            pltpu.SMEM((6 * _COLS,), jnp.float32),
            pltpu.SMEM((_COLS,), jnp.float32),
            pltpu.SMEM((1,), jnp.int32),
            pltpu.SMEM((8,), jnp.float32),
        ],
    )
    def _row_dot(m_hbm, t_hbm, s_hbm, out_hbm, m_s, t_s, s_s, o_s):
        pltpu.sync_copy(m_hbm, m_s)
        pltpu.sync_copy(t_hbm, t_s)
        pltpu.sync_copy(s_hbm, s_s)
        base = s_s[0] * _COLS
        acc = m_s[base] * t_s[0]
        for j in range(1, _COLS):
            acc += m_s[base + j] * t_s[j]
        for j in range(8):
            o_s[j] = acc
        pltpu.sync_copy(o_s, out_hbm)

    return _row_dot


def kernel(M, theta, state):
    m_flat = M.reshape(M.shape[0] * M.shape[1])
    s = jnp.asarray(state, jnp.int32).reshape(1)
    out = _build_row_dot()(m_flat, theta, s)
    return out[0]

# --- scband reference (transcript-rebuilt; emitter-appended) ---
"""Pipeline reference for scband-linear-baird-40596030881852 (READ-ONLY COPY).

The authoritative reference and input builder live on the scoring server;
editing this copy changes nothing except your own understanding.
"""

import jax, jax.numpy as jnp
import numpy as np


def init_m():
    M = np.zeros((6, 7), dtype=np.float32)
    M[:, 0] = 1.0
    for i in range(5):
        M[i, i + 1] = 2.0
    M[5, 0] = 2.0
    M[5, 6] = 1.0
    return jnp.asarray(M)


def setup_inputs(seed: int = 0) -> dict:
    key = jax.random.key(seed)
    M = init_m()
    theta = jax.random.uniform(key, (7,), dtype=jnp.float32)
    state = 3
    return {"M": M, "theta": theta, "state": state}


def reference(M, theta, state):
    # row-gather from M (embedding-style lookup) followed by dot with theta
    row = M[state, :]
    return jnp.dot(row, theta)

if __name__ == "__main__":
    import jax
    _d = setup_inputs()
    print(jax.jit(kernel)(*tuple(_d.values())))

</pallas_src>

<mosaic_0001>
#map = affine_map<(d0) -> (0)>
module attributes {stable_mosaic.version = 14 : i64} {
  func.func @_row_dot(%arg0: i32, %arg1: memref<42xf32, #tpu.memory_space<hbm>>, %arg2: memref<7xf32, #tpu.memory_space<hbm>>, %arg3: memref<1xi32, #tpu.memory_space<hbm>>, %arg4: memref<8xf32, #tpu.memory_space<hbm>>, %arg5: memref<42xf32, #tpu.memory_space<smem>>, %arg6: memref<7xf32, #tpu.memory_space<smem>>, %arg7: memref<1xi32, #tpu.memory_space<smem>>, %arg8: memref<8xf32, #tpu.memory_space<smem>>) attributes {dimension_semantics = [#tpu.dimension_semantics<core_parallel>], iteration_bounds = array<i64: 1>, scalar_prefetch = 0 : i64, scratch_operands = 4 : i64, tpu.core_type = #tpu.core_type<sc_scalar_subcore>, window_params = [{transform_indices = #map}, {transform_indices = #map}, {transform_indices = #map}, {transform_indices = #map}]} {
    "tpu.region"() ({
      %run_scoped3A = tpu.sem_alloc : memref<!tpu.dma_semaphore, #tpu.memory_space<semaphore_mem>>
      tpu.enqueue_dma source(%arg1 : memref<42xf32, #tpu.memory_space<hbm>>) target(%arg5 : memref<42xf32, #tpu.memory_space<smem>>) target_semaphore(%run_scoped3A : memref<!tpu.dma_semaphore, #tpu.memory_space<semaphore_mem>>)
      tpu.wait_dma2 semaphore(%run_scoped3A : memref<!tpu.dma_semaphore, #tpu.memory_space<semaphore_mem>>) src(%arg1 : memref<42xf32, #tpu.memory_space<hbm>>) dst(%arg5 : memref<42xf32, #tpu.memory_space<smem>>)
      tpu.yield
    }) : () -> ()
    "tpu.region"() ({
      %run_scoped3A = tpu.sem_alloc : memref<!tpu.dma_semaphore, #tpu.memory_space<semaphore_mem>>
      tpu.enqueue_dma source(%arg2 : memref<7xf32, #tpu.memory_space<hbm>>) target(%arg6 : memref<7xf32, #tpu.memory_space<smem>>) target_semaphore(%run_scoped3A : memref<!tpu.dma_semaphore, #tpu.memory_space<semaphore_mem>>)
      tpu.wait_dma2 semaphore(%run_scoped3A : memref<!tpu.dma_semaphore, #tpu.memory_space<semaphore_mem>>) src(%arg2 : memref<7xf32, #tpu.memory_space<hbm>>) dst(%arg6 : memref<7xf32, #tpu.memory_space<smem>>)
      tpu.yield
    }) : () -> ()
    "tpu.region"() ({
      %run_scoped3A = tpu.sem_alloc : memref<!tpu.dma_semaphore, #tpu.memory_space<semaphore_mem>>
      tpu.enqueue_dma source(%arg3 : memref<1xi32, #tpu.memory_space<hbm>>) target(%arg7 : memref<1xi32, #tpu.memory_space<smem>>) target_semaphore(%run_scoped3A : memref<!tpu.dma_semaphore, #tpu.memory_space<semaphore_mem>>)
      tpu.wait_dma2 semaphore(%run_scoped3A : memref<!tpu.dma_semaphore, #tpu.memory_space<semaphore_mem>>) src(%arg3 : memref<1xi32, #tpu.memory_space<hbm>>) dst(%arg7 : memref<1xi32, #tpu.memory_space<smem>>)
      tpu.yield
    }) : () -> ()
    %get3A = arith.constant 0 : i32
    %get3A_0 = arith.index_cast %get3A : i32 to index
    %get3A_1 = memref.load %arg7[%get3A_0] : memref<1xi32, #tpu.memory_space<smem>>
    %mul3A = arith.constant 7 : i32
    %mul3A_2 = arith.muli %get3A_1, %mul3A : i32
    %get3A_3 = arith.index_cast %mul3A_2 : i32 to index
    %get3A_4 = memref.load %arg5[%get3A_3] : memref<42xf32, #tpu.memory_space<smem>>
    %get3A_5 = arith.constant 0 : i32
    %get3A_6 = arith.index_cast %get3A_5 : i32 to index
    %get3A_7 = memref.load %arg6[%get3A_6] : memref<7xf32, #tpu.memory_space<smem>>
    %mul3A_8 = arith.mulf %get3A_4, %get3A_7 : f32
    %add3A = arith.constant 1 : i32
    %add3A_9 = arith.addi %mul3A_2, %add3A : i32
    %get3A_10 = arith.index_cast %add3A_9 : i32 to index
    %get3A_11 = memref.load %arg5[%get3A_10] : memref<42xf32, #tpu.memory_space<smem>>
    %get3A_12 = arith.constant 1 : i32
    %get3A_13 = arith.index_cast %get3A_12 : i32 to index
    %get3A_14 = memref.load %arg6[%get3A_13] : memref<7xf32, #tpu.memory_space<smem>>
    %mul3A_15 = arith.mulf %get3A_11, %get3A_14 : f32
    %add3A_16 = arith.addf %mul3A_8, %mul3A_15 : f32
    %add3A_17 = arith.constant 2 : i32
    %add3A_18 = arith.addi %mul3A_2, %add3A_17 : i32
    %get3A_19 = arith.index_cast %add3A_18 : i32 to index
    %get3A_20 = memref.load %arg5[%get3A_19] : memref<42xf32, #tpu.memory_space<smem>>
    %get3A_21 = arith.constant 2 : i32
    %get3A_22 = arith.index_cast %get3A_21 : i32 to index
    %get3A_23 = memref.load %arg6[%get3A_22] : memref<7xf32, #tpu.memory_space<smem>>
    %mul3A_24 = arith.mulf %get3A_20, %get3A_23 : f32
    %add3A_25 = arith.addf %add3A_16, %mul3A_24 : f32
    %add3A_26 = arith.constant 3 : i32
    %add3A_27 = arith.addi %mul3A_2, %add3A_26 : i32
    %get3A_28 = arith.index_cast %add3A_27 : i32 to index
    %get3A_29 = memref.load %arg5[%get3A_28] : memref<42xf32, #tpu.memory_space<smem>>
    %get3A_30 = arith.constant 3 : i32
    %get3A_31 = arith.index_cast %get3A_30 : i32 to index
    %get3A_32 = memref.load %arg6[%get3A_31] : memref<7xf32, #tpu.memory_space<smem>>
    %mul3A_33 = arith.mulf %get3A_29, %get3A_32 : f32
    %add3A_34 = arith.addf %add3A_25, %mul3A_33 : f32
    %add3A_35 = arith.constant 4 : i32
    %add3A_36 = arith.addi %mul3A_2, %add3A_35 : i32
    %get3A_37 = arith.index_cast %add3A_36 : i32 to index
    %get3A_38 = memref.load %arg5[%get3A_37] : memref<42xf32, #tpu.memory_space<smem>>
    %get3A_39 = arith.constant 4 : i32
    %get3A_40 = arith.index_cast %get3A_39 : i32 to index
    %get3A_41 = memref.load %arg6[%get3A_40] : memref<7xf32, #tpu.memory_space<smem>>
    %mul3A_42 = arith.mulf %get3A_38, %get3A_41 : f32
    %add3A_43 = arith.addf %add3A_34, %mul3A_42 : f32
    %add3A_44 = arith.constant 5 : i32
    %add3A_45 = arith.addi %mul3A_2, %add3A_44 : i32
    %get3A_46 = arith.index_cast %add3A_45 : i32 to index
    %get3A_47 = memref.load %arg5[%get3A_46] : memref<42xf32, #tpu.memory_space<smem>>
    %get3A_48 = arith.constant 5 : i32
    %get3A_49 = arith.index_cast %get3A_48 : i32 to index
    %get3A_50 = memref.load %arg6[%get3A_49] : memref<7xf32, #tpu.memory_space<smem>>
    %mul3A_51 = arith.mulf %get3A_47, %get3A_50 : f32
    %add3A_52 = arith.addf %add3A_43, %mul3A_51 : f32
    %add3A_53 = arith.constant 6 : i32
    %add3A_54 = arith.addi %mul3A_2, %add3A_53 : i32
    %get3A_55 = arith.index_cast %add3A_54 : i32 to index
    %get3A_56 = memref.load %arg5[%get3A_55] : memref<42xf32, #tpu.memory_space<smem>>
    %get3A_57 = arith.constant 6 : i32
    %get3A_58 = arith.index_cast %get3A_57 : i32 to index
    %get3A_59 = memref.load %arg6[%get3A_58] : memref<7xf32, #tpu.memory_space<smem>>
    %mul3A_60 = arith.mulf %get3A_56, %get3A_59 : f32
    %add3A_61 = arith.addf %add3A_52, %mul3A_60 : f32
    %swap3A = arith.constant 0 : i32
    %swap3A_62 = arith.index_cast %swap3A : i32 to index
    %swap3A_63 = memref.load %arg8[%swap3A_62] : memref<8xf32, #tpu.memory_space<smem>>
    memref.store %add3A_61, %arg8[%swap3A_62] : memref<8xf32, #tpu.memory_space<smem>>
    %swap3A_64 = arith.constant 1 : i32
    %swap3A_65 = arith.index_cast %swap3A_64 : i32 to index
    %swap3A_66 = memref.load %arg8[%swap3A_65] : memref<8xf32, #tpu.memory_space<smem>>
    memref.store %add3A_61, %arg8[%swap3A_65] : memref<8xf32, #tpu.memory_space<smem>>
    %swap3A_67 = arith.constant 2 : i32
    %swap3A_68 = arith.index_cast %swap3A_67 : i32 to index
    %swap3A_69 = memref.load %arg8[%swap3A_68] : memref<8xf32, #tpu.memory_space<smem>>
    memref.store %add3A_61, %arg8[%swap3A_68] : memref<8xf32, #tpu.memory_space<smem>>
    %swap3A_70 = arith.constant 3 : i32
    %swap3A_71 = arith.index_cast %swap3A_70 : i32 to index
    %swap3A_72 = memref.load %arg8[%swap3A_71] : memref<8xf32, #tpu.memory_space<smem>>
    memref.store %add3A_61, %arg8[%swap3A_71] : memref<8xf32, #tpu.memory_space<smem>>
    %swap3A_73 = arith.constant 4 : i32
    %swap3A_74 = arith.index_cast %swap3A_73 : i32 to index
    %swap3A_75 = memref.load %arg8[%swap3A_74] : memref<8xf32, #tpu.memory_space<smem>>
    memref.store %add3A_61, %arg8[%swap3A_74] : memref<8xf32, #tpu.memory_space<smem>>
    %swap3A_76 = arith.constant 5 : i32
    %swap3A_77 = arith.index_cast %swap3A_76 : i32 to index
    %swap3A_78 = memref.load %arg8[%swap3A_77] : memref<8xf32, #tpu.memory_space<smem>>
    memref.store %add3A_61, %arg8[%swap3A_77] : memref<8xf32, #tpu.memory_space<smem>>
    %swap3A_79 = arith.constant 6 : i32
    %swap3A_80 = arith.index_cast %swap3A_79 : i32 to index
    %swap3A_81 = memref.load %arg8[%swap3A_80] : memref<8xf32, #tpu.memory_space<smem>>
    memref.store %add3A_61, %arg8[%swap3A_80] : memref<8xf32, #tpu.memory_space<smem>>
    %swap3A_82 = arith.constant 7 : i32
    %swap3A_83 = arith.index_cast %swap3A_82 : i32 to index
    %swap3A_84 = memref.load %arg8[%swap3A_83] : memref<8xf32, #tpu.memory_space<smem>>
    memref.store %add3A_61, %arg8[%swap3A_83] : memref<8xf32, #tpu.memory_space<smem>>
    "tpu.region"() ({
      %run_scoped3A = tpu.sem_alloc : memref<!tpu.dma_semaphore, #tpu.memory_space<semaphore_mem>>
      tpu.enqueue_dma source(%arg8 : memref<8xf32, #tpu.memory_space<smem>>) target(%arg4 : memref<8xf32, #tpu.memory_space<hbm>>) target_semaphore(%run_scoped3A : memref<!tpu.dma_semaphore, #tpu.memory_space<semaphore_mem>>)
      tpu.wait_dma2 semaphore(%run_scoped3A : memref<!tpu.dma_semaphore, #tpu.memory_space<semaphore_mem>>) src(%arg8 : memref<8xf32, #tpu.memory_space<smem>>) dst(%arg4 : memref<8xf32, #tpu.memory_space<hbm>>)
      tpu.yield
    }) : () -> ()
    return
  }
}

</mosaic_0001>

<sc_bundles>
// kernel: kernel.3.cloned.1.call-start
scs
__scs_entry_jumppad:
0x0: {  	(pc) =	sbr.rel $0x88, $3  }
0x1: {  	(tag) =	ssettag $0x0;
	lr =	simm.s32 $0x1  }
0x2: {  	[smem:$0x3F9E] =	sst lr;
	_ =	strace $0xD0000000  }
0x3: {  	_ = 	snop  }
0x4: {  	_ = 	snop  }
0x5: {  	_ = 	snop  }
0x6: {  	_ = 	snop  }
0x7: {  	_ = 	snop  }
__scs_overlays_trampoline_lowered:
0x8: {  	[smem:$0x3FAD] =	sst s0  }
0x9: {  	[smem:$0x3FAE] =	sst s1  }
0xa: {  	[smem:$0x3FAF] =	sst s2  }
0xb: {  	[smem:$0x3FB0] =	sst s3  }
0xc: {  	[smem:$0x3FB1] =	sst s4  }
0xd: {  	[smem:$0x3FB2] =	sst s5  }
0xe: {  	[smem:$0x3FB3] =	sst s6  }
0xf: {  	[smem:$0x3FB4] =	sst s7  }
0x10: {  	[smem:$0x3FB5] =	sst s8  }
0x11: {  	[smem:$0x3FB6] =	sst s9;
	s0 =	simm.s32 @!p0 $0x0  }
0x12: {  	s1 =	sld [smem:$0x3F9C];
	s0 =	simm.s32 @p0 $0x1  }
0x13: {  	[smem:$0x3FB7] =	sst s0;
	s0 =	simm.s32 @!p1 $0x0  }
0x14: {  	s2 =	sld [smem:$0x3F9B];
	s0 =	simm.s32 @p1 $0x1  }
0x15: {  	[smem:$0x3FB8] =	sst s0;
	s0 =	simm.s32 @!p2 $0x0  }
0x16: {  	s3 =	sld [smem:$0x3FDB];
	s0 =	simm.s32 @p2 $0x1  }
0x17: {  	s4 =	simm.s32 $0x1BF5;
	[smem:$0x3FBA] =	sst s0  }
0x18: {  	s0 =	sld [smem:$0x3F9D];
	_ =	swait.ge [sflag:s4], $0x0  }
0x19: {  	s7 =	sld [smem:$0x3F9E]  }
0x1a: {  	s8 =	sadd.s32 $0xFFFFE003, lr  }
0x1b: {  	s9 =	sadd.s32 $0xFFFFFEF7, lr;
	s5 =	simm.s32 $0xFFFFFFFF;
	p2 =	slt.u32 s8, $0xFFFFF086  }
0x1c: {  	p1 =	slt.u32 s9, $0xF7A;
	s5 =	simm.s32 @!p2 $0x0  }
0x1d: {  	s5 =	simm.s32 @p1 $0x1;
	p0 =	seq.s32 s7, s2  }
0x1e: {  	s7 =	smul.u32 @!p0 $0xF7A, s2;
	p2 =	seq.s32 @!p0 s5, $0x0  }
0x1f: {  	s9 =	smul.u32 $0xF7A, s1;
	s8 =	simm.s32 @!p0 $0x1BF5;
	p2 =	por !p2, p0  }
0x20: {  	[sflag:s8] =	ssyncset.s32 @!p0 $0xFFFFF086;
	s6 =	sadd.s32 @!p0 s3, s7;
	s7 =	simm.s32 @!p0 $0x108  }
0x21: {  	s3 =	sadd.s32 s3, s9;
	s6 =	sadd.s32 @!p0 $0x88, s6;
	s7 =	simm.s32 @p2 $0x1082  }
0x22: {  	[simem:s7], [sflag:s8] =	dma.local @!p0 [hbm:s6], $0xF7A  }
0x23: {  	s9 =	sor.u32 $0xD0000000, s2;
	s6 =	simm.s32 $0x108;
	_ =	swait.ge @!p0 [sflag:s8], $0x0  }
0x24: {  	s3 =	sadd.s32 $0x88, s3;
	s6 =	simm.s32 @!p1 $0x1082;
	[sflag:s4] =	ssyncset.s32 $0xFFFFF086  }
0x25: {  	[simem:s6], [sflag:s4] =	dma.local [hbm:s3], $0xF7A  }
0x26: {  	[smem:$0x3F9E] =	sst s1;
	(tag) =	ssettag s2;
	_ =	strace s9  }
0x27: {  	s1 =	sld [smem:$0x3FAE]  }
0x28: {  	s2 =	sld [smem:$0x3FAF]  }
0x29: {  	s4 =	sld [smem:$0x3FB1]  }
0x2a: {  	p0 =	seq.s32 s5, $0x0;
	s5 =	sld [smem:$0x3FB2]  }
0x2b: {  	s6 =	sld [smem:$0x3FB3]  }
0x2c: {  	s7 =	sld [smem:$0x3FB4]  }
0x2d: {  	s3 =	simm.s32 $0x108;
	s8 =	sld [smem:$0x3FB5]  }
0x2e: {  	s3 =	simm.s32 @!p0 $0x1082;
	s9 =	sld [smem:$0x3FB6]  }
0x2f: {  	lr =	sadd.s32 s0, s3;
	s0 =	sld [smem:$0x3FAD]  }
0x30: {  	s3 =	sld [smem:$0x3FB0]  }
0x31: {  	[smem:$0x3FB9] =	sst s10  }
0x32: {  	s10 =	sld [smem:$0x3FB7];
	_ =	sdelay $0x3  }
0x33: {  	p0 =	seq.s32 s10, $0x1;
	s10 =	sld [smem:$0x3FB9];
	_ =	sdelay $0x3  }
0x34: {  	[smem:$0x3FB9] =	sst s10  }
0x35: {  	s10 =	sld [smem:$0x3FB8];
	_ =	sdelay $0x3  }
0x36: {  	p1 =	seq.s32 s10, $0x1;
	s10 =	sld [smem:$0x3FB9];
	_ =	sdelay $0x3  }
0x37: {  	[smem:$0x3FB9] =	sst s10  }
0x38: {  	s10 =	sld [smem:$0x3FBA]  }
0x39: {  	_ = 	snop;
	(pc) =	sbr.ind lr, $3  }
0x3a: {  	_ = 	snop  }
0x3b: {  	_ = 	snop  }
0x3c: {  	p2 =	seq.s32 s10, $0x1;
	s10 =	sld [smem:$0x3FB9]  }
0x3d: {  	_ =	shalt  }
0x3e: {  	_ =	shalt  }
0x3f: {  	_ =	shalt  }
0x40: {  	_ =	shalt  }
0x41: {  	_ =	shalt  }
0x42: {  	_ =	shalt  }
0x43: {  	_ =	shalt  }
0x44: {  	_ =	shalt  }
0x45: {  	_ =	shalt  }
0x46: {  	_ =	shalt  }
0x47: {  	_ =	shalt  }
0x48: {  	_ =	shalt  }
0x49: {  	_ =	shalt  }
0x4a: {  	_ =	shalt  }
0x4b: {  	_ =	shalt  }
0x4c: {  	_ =	shalt  }
0x4d: {  	_ =	shalt  }
0x4e: {  	_ =	shalt  }
0x4f: {  	_ =	shalt  }
0x50: {  	_ =	shalt  }
0x51: {  	_ =	shalt  }
0x52: {  	_ =	shalt  }
0x53: {  	_ =	shalt  }
0x54: {  	_ =	shalt  }
0x55: {  	_ =	shalt  }
0x56: {  	_ =	shalt  }
0x57: {  	_ =	shalt  }
0x58: {  	_ =	shalt  }
0x59: {  	_ =	shalt  }
0x5a: {  	_ =	shalt  }
0x5b: {  	_ =	shalt  }
0x5c: {  	_ =	shalt  }
0x5d: {  	_ =	shalt  }
0x5e: {  	_ =	shalt  }
0x5f: {  	_ =	shalt  }
0x60: {  	_ =	shalt  }
0x61: {  	_ =	shalt  }
0x62: {  	_ =	shalt  }
0x63: {  	_ =	shalt  }
0x64: {  	_ =	shalt  }
0x65: {  	_ =	shalt  }
0x66: {  	_ =	shalt  }
0x67: {  	_ =	shalt  }
0x68: {  	_ =	shalt  }
0x69: {  	_ =	shalt  }
0x6a: {  	_ =	shalt  }
0x6b: {  	_ =	shalt  }
0x6c: {  	_ =	shalt  }
0x6d: {  	_ =	shalt  }
0x6e: {  	_ =	shalt  }
0x6f: {  	_ =	shalt  }
0x70: {  	_ =	shalt  }
0x71: {  	_ =	shalt  }
0x72: {  	_ =	shalt  }
0x73: {  	_ =	shalt  }
0x74: {  	_ =	shalt  }
0x75: {  	_ =	shalt  }
0x76: {  	_ =	shalt  }
0x77: {  	_ =	shalt  }
0x78: {  	_ =	shalt  }
0x79: {  	_ =	shalt  }
0x7a: {  	_ =	shalt  }
0x7b: {  	_ =	shalt  }
0x7c: {  	_ =	shalt  }
0x7d: {  	_ =	shalt  }
0x7e: {  	_ =	shalt  }
0x7f: {  	_ =	shalt  }
0x80: {  	_ =	shalt  }
0x81: {  	_ =	shalt  }
0x82: {  	_ =	shalt  }
0x83: {  	_ =	shalt  }
0x84: {  	_ =	shalt  }
0x85: {  	_ =	shalt  }
0x86: {  	_ =	shalt  }
0x87: {  	_ =	shalt  }
.Lfunc_end0:
.L_simem_size_0:
called_computation_lowered:
.L_overlay_start_0:
0x88: {  	s0 =	sld [smem:$0x3FD9]  }
0x89: {  	s1 =	sld [smem:$0x3FFE];
	_ =	sdelay $0x3  }
0x8a: {  	s0 =	sadd.s32 s1, s0  }
0x8b: {  	[smem:$0x3FC5] =	sst s0  }
0x8c: {  	_ = 	snop  }
0x8d: {  	s6 =	sld [smem:$0x3FC8]  }
0x8e: {  	s2 =	sld [smem:$0x3FC7]  }
0x8f: {  	s0 =	sld [smem:$0x3FD0];
	(tm) =	ssettm $0x1  }
0x90: {  	s3 =	sld [smem:$0x3FFB];
	_ =	sdelay $0x3  }
0x91: {  	_ =	strace s3  }
0x92: {  	s3 =	sld [smem:$0x3FFC];
	_ =	sdelay $0x3  }
0x93: {  	_ =	strace s3  }
0x94: {  	s3 =	sld [smem:$0x3FFD];
	_ =	sdelay $0x3  }
0x95: {  	_ =	strace s3  }
0x96: {  	s7 =	simm.s32 $0x1B8B;
	_ =	strace $0x8FFFFFFF  }
0x97: {  	_ =	swait.ge [sflag:s7], $0x1  }
0x98: {  	s4 =	sld [smem:$0x3FFE]  }
0x99: {  	[sflag:s7] =	ssyncset.done $0x0  }
0x9a: {  	s8 =	simm.s32 $0x1B8E;
	[sflag:s7] =	ssyncadd.s32 $0xFFFFFFFF  }
0x9b: {  	s10 =	simm.s32 $0x9;
	[smem:$0x3FD2] =	sst s8  }
0x9c: {  	s5 =	simm.s32 $0x10;
	_ =	strace $0x80000046;
	s9 =	sadd.s32 $0x400, s4  }
0x9d: {  	[smem:s5], [sflag:s10] =	dma.local [hbm:s9], $0x10  }
0x9e: {  	_ =	swait.ge [sflag:s10], $0x10  }
0x9f: {  	[sflag:s10] =	ssyncset.done $0x0  }
0xa0: {  	[sflag:s10] =	ssyncadd.s32 $0xFFFFFFF0  }
0xa1: {  	s11 =	simm.s32 $0x90  }
0xa2: {  	[smem:s11], [sflag:s10] =	dma.local [hbm:s6], $0x10  }
0xa3: {  	_ =	swait.ge [sflag:s10], $0x10  }
0xa4: {  	[sflag:s10] =	ssyncset.done $0x0  }
0xa5: {  	[sflag:s10] =	ssyncadd.s32 $0xFFFFFFF0  }
0xa6: {  	s12 =	simm.s32 $0x110  }
0xa7: {  	[smem:s12], [sflag:s10] =	dma.local [hbm:s2], $0x10  }
0xa8: {  	_ =	swait.ge [sflag:s10], $0x10  }
0xa9: {  	[sflag:s10] =	ssyncset.done $0x0  }
0xaa: {  	[sflag:s10] =	ssyncadd.s32 $0xFFFFFFF0  }
0xab: {  	s13 =	sld [smem:$0x110];
	_ =	sdelay $0x1  }
0xac: {  	s15 =	sld [smem:$0x90]  }
0xad: {  	s6 =	sld [smem:$0x91]  }
0xae: {  	s8 =	sld [smem:$0x92];
	s1 =	smul.u32 $0x1C, s13  }
0xaf: {  	s18 =	sld [smem:$0x93]  }
0xb0: {  	s21 =	sld [smem:$0x94];
	s1 =	sshra.s32 s1, $0x2  }
0xb1: {  	s14 =	sld [smem:s1+$0x10]  }
0xb2: {  	s16 =	sld [smem:s1+$0x11]  }
0xb3: {  	s23 =	sld [smem:$0x95]  }
0xb4: {  	s7 =	sld [smem:s1+$0x12]  }
0xb5: {  	s24 =	sld [smem:$0x96];
	s2 =	smul.f32 s15, s14  }
0xb6: {  	s17 =	sld [smem:s1+$0x13];
	s5 =	smul.f32 s6, s16  }
0xb7: {  	s20 =	sld [smem:s1+$0x14]  }
0xb8: {  	s19 =	smul.f32 s8, s7;
	s2 =	sadd.f32 s5, s2  }
0xb9: {  	s22 =	sld [smem:s1+$0x15]  }
0xba: {  	s3 =	smul.f32 s18, s17;
	s2 =	sadd.f32 s19, s2  }
0xbb: {  	s1 =	sld [smem:s1+$0x16]  }
0xbc: {  	s2 =	sadd.f32 s3, s2;
	s3 =	smul.f32 s21, s20  }
0xbd: {  	_ = 	snop  }
0xbe: {  	s25 =	smul.f32 s23, s22;
	s2 =	sadd.f32 s3, s2  }
0xbf: {  	_ = 	snop  }
0xc0: {  	s1 =	smul.f32 s24, s1;
	s2 =	sadd.f32 s25, s2  }
0xc1: {  	_ = 	snop  }
0xc2: {  	s1 =	sadd.f32 s1, s2;
	_ =	sdelay $0x1  }
0xc3: {  	[smem:$0x190] =	sst s1  }
0xc4: {  	[smem:$0x191] =	sst s1  }
0xc5: {  	[smem:$0x192] =	sst s1  }
0xc6: {  	[smem:$0x193] =	sst s1  }
0xc7: {  	[smem:$0x194] =	sst s1  }
0xc8: {  	[smem:$0x195] =	sst s1  }
0xc9: {  	[smem:$0x196] =	sst s1  }
0xca: {  	s26 =	simm.s32 $0x190;
	[smem:$0x197] =	sst s1  }
0xcb: {  	[hbm:s0], [sflag:s10] =	dma.local [smem:s26], $0x10  }
0xcc: {  	_ =	swait.ge [sflag:s10], $0x10  }
0xcd: {  	[sflag:s10] =	ssyncset.done $0x0  }
0xce: {  	[sflag:s10] =	ssyncadd.s32 $0xFFFFFFF0  }
0xcf: {  	_ =	strace $0x90000046  }
0xd0: {  	_ =	sfence  }
0xd1: {  	s28 =	sld [smem:$0x0];
	_ =	sdelay $0x1  }
0xd2: {  	s29 =	srdreg.scid  }
0xd3: {  	s30 =	sshll.u32 s29, $0xD;
	s31 =	sshrl.u32 s29, $0x2  }
0xd4: {  	s2 =	sand.u32 $0x4000, s30;
	s1 =	sand.u32 $0x1, s29;
	s0 =	sadd.s32 s31, s28  }
0xd5: {  	s1 =	sor.u32 s2, s1;
	s0 =	sshll.u32 s0, $0x11  }
0xd6: {  	s0 =	sor.u32 s0, s1  }
0xd7: {  	s0 =	sadd.s32 $0x8F2B, s0;
	(pc) =	sbr.abs _section_cstart, $3  }
0xd8: {  	[sflag:s0] =	ssyncadd.remote.s32 $0x1  }
0xd9: {  	_ =	strace $0x9FFFFFFF  }
0xda: {  	(tm) =	ssettm $0x7FFFFFFF  }
0xdb: {  	_ =	shalt  }

</sc_bundles>
